<compile_context>
chip_gen: v7x
topology: tpu7x:2x2x1
jax: 0.10.2.dev20260603
libtpu: 0.0.44.dev20260713+nightly
codegen_flags: <defaults>
</compile_context>

<pallas_src>
import functools
import jax
import jax.numpy as jnp
from jax import lax
from jax.experimental import pallas as pl
from jax.experimental.pallas import tpu as pltpu
from jax.experimental.pallas import tpu_sc as plsc

N = 10000
E = 320000
D = 128
NP = 10240
EP = 327680
NC = 2
NS = 16
NW = NC * NS
CHUNK = 128
NCHUNK = EP // (NW * CHUNK)
ACC_ROWS = 10112
ACC_PER_TILE = ACC_ROWS // NS

_sc_mesh = functools.partial(
    plsc.VectorSubcoreMesh, core_axis_name="c", subcore_axis_name="s")


ECHC = E // CHUNK
PADC = (EP - E) // CHUNK


def _deg_body(inter_hbm, pads_hbm, deg_hbm, idx_v, ones_v, zeros_v, deg_sh,
              sem):
  cid = lax.axis_index("c")
  sid = lax.axis_index("s")
  wid = cid * NS + sid
  for g in range(CHUNK // 16):
    ones_v[pl.ds(g * 16, 16)] = jnp.ones((16,), jnp.float32)
  z16 = jnp.zeros((16,), jnp.float32)

  def zbody(k, _):
    zeros_v[pl.ds(k * 16, 16)] = z16
    return 0

  lax.fori_loop(0, (NP // NS) // 16, zbody, 0)
  pltpu.sync_copy(zeros_v, deg_sh.at[pl.ds(sid * (NP // NS), NP // NS)])
  @pl.when(wid < NW - 1)
  def _():
    pltpu.sync_copy(inter_hbm.at[pl.ds(wid * NCHUNK, NCHUNK)], idx_v)

  @pl.when(wid == NW - 1)
  def _():
    nreal = ECHC - (NW - 1) * NCHUNK
    pltpu.sync_copy(inter_hbm.at[pl.ds(ECHC - nreal, nreal)],
                    idx_v.at[pl.ds(0, nreal)])
    pltpu.sync_copy(pads_hbm, idx_v.at[pl.ds(nreal, PADC)])

  plsc.subcore_barrier()

  LAG = 4

  def body(j, _):
    pltpu.async_copy(ones_v, deg_sh.at[idx_v.at[j, 1]], sem, add=True)

    @pl.when(j >= LAG)
    def _():
      pltpu.make_async_copy(ones_v, deg_sh.at[idx_v.at[j - LAG, 1]],
                            sem).wait()

    return 0

  lax.fori_loop(0, NCHUNK, body, 0)

  def drain(j, _):
    pltpu.make_async_copy(ones_v, deg_sh.at[idx_v.at[j, 1]], sem).wait()
    return 0

  lax.fori_loop(NCHUNK - LAG, NCHUNK, drain, 0)
  plsc.subcore_barrier()

  @pl.when(sid == 0)
  def _():
    pltpu.sync_copy(deg_sh, deg_hbm.at[cid])


@jax.jit
def _deg_kernel(inter, pads):
  return pl.kernel(
      _deg_body,
      out_type=jax.ShapeDtypeStruct((NC, NP), jnp.float32),
      mesh=_sc_mesh(),
      scratch_types=[
          pltpu.VMEM((NCHUNK, 2, CHUNK), jnp.int32),
          pltpu.VMEM((CHUNK,), jnp.float32),
          pltpu.VMEM((NP // NS,), jnp.float32),
          pltpu.VMEM_SHARED((NP,), jnp.float32),
          pltpu.SemaphoreType.DMA,
      ],
  )(inter, pads)


def _matmul_body(f_ref, w_ref, degp_ref, y_ref):
  deg = degp_ref[0, :] + degp_ref[1, :] + 1.0
  dinv = lax.rsqrt(deg)
  x = jnp.dot(f_ref[...], w_ref[...], preferred_element_type=jnp.float32)
  y_ref[...] = x * dinv[:, None]


@jax.jit
def _matmul_kernel(features, W, deg_p):
  blk = 2048
  return pl.pallas_call(
      _matmul_body,
      grid=(NP // blk,),
      in_specs=[
          pl.BlockSpec((blk, D), lambda i: (i, 0)),
          pl.BlockSpec((D, D), lambda i: (0, 0)),
          pl.BlockSpec((NC, blk), lambda i: (0, i)),
      ],
      out_specs=pl.BlockSpec((blk, D), lambda i: (i, 0)),
      out_shape=jax.ShapeDtypeStruct((NP, D), jnp.float32),
  )(features, W, deg_p)


def _agg_body(y_hbm, inter_hbm, pads_hbm, out_hbm,
              ir_v, ic_v, rows0_v, rows1_v, rows2_v, acc_sh, *sems):
  cid = lax.axis_index("c")
  sid = lax.axis_index("s")
  wid = cid * NS + sid
  g0 = wid * NCHUNK
  rows = (rows0_v, rows1_v, rows2_v)
  irsems = sems[0:3]
  icsems = sems[3:7]
  gsems = sems[7:10]
  ssems = sems[10:13]

  z16 = jnp.zeros((16,), jnp.float32)

  def zbody(k, _):
    for g in range(D // 16):
      rows0_v[k, pl.ds(g * 16, 16)] = z16
    return 0

  a0 = sid * ACC_PER_TILE

  @pl.when(cid == 0)
  def _():
    pltpu.sync_copy(y_hbm.at[pl.ds(a0, ACC_PER_TILE)],
                    acc_sh.at[pl.ds(a0, ACC_PER_TILE)])

  @pl.when(cid == 1)
  def _():
    lax.fori_loop(0, CHUNK, zbody, 0)
    off = 0
    while off < ACC_PER_TILE:
      step = min(CHUNK, ACC_PER_TILE - off)
      pltpu.sync_copy(rows0_v.at[pl.ds(0, step)],
                      acc_sh.at[pl.ds(a0 + off, step)])
      off += step

  def fetch_idx(j, r, dst, sem):
    gd = g0 + j

    @pl.when(gd < ECHC)
    def _():
      pltpu.async_copy(inter_hbm.at[gd, r], dst, sem)

    @pl.when(gd >= ECHC)
    def _():
      pltpu.async_copy(pads_hbm.at[gd - ECHC, r], dst, sem)

  def fetch_ir(j, s):
    fetch_idx(j, 0, ir_v.at[s], irsems[s])

  def wait_ir(j, s):
    del j
    pltpu.make_async_copy(inter_hbm.at[0, 0], ir_v.at[s], irsems[s]).wait()

  def fetch_ic(j, c):
    fetch_idx(j, 1, ic_v.at[c], icsems[c])

  def wait_ic(j, c):
    del j
    pltpu.make_async_copy(inter_hbm.at[0, 1], ic_v.at[c], icsems[c]).wait()

  def start_gather(s):
    pltpu.async_copy(y_hbm.at[ir_v.at[s]], rows[s], gsems[s])

  def wait_gather(s):
    pltpu.make_async_copy(y_hbm.at[ir_v.at[s]], rows[s], gsems[s]).wait()

  def start_scatter(s, c):
    pltpu.async_copy(rows[s], acc_sh.at[ic_v.at[c]], ssems[s], add=True)

  def wait_scatter(s, c):
    pltpu.make_async_copy(rows[s], acc_sh.at[ic_v.at[c]], ssems[s]).wait()

  def process(j, jd, skip_ws=False):
    s, s2, s3 = j % 3, (j + 2) % 3, (j + 3) % 3
    c, c2 = j % 4, (j + 2) % 4
    wait_ir(jd + 2, s2)
    if not skip_ws:
      wait_scatter(s2, (j - 1) % 4)
    start_gather(s2)
    wait_gather(s)
    if j + 3 < NCHUNK:
      fetch_ir(jd + 3, s3)
    wait_ic(jd, c)
    start_scatter(s, c)
    if j + 2 < NCHUNK:
      fetch_ic(jd + 2, c2)

  fetch_ir(0, 0)
  fetch_ic(0, 0)
  fetch_ir(1, 1)
  fetch_ic(1, 1)
  fetch_ir(2, 2)
  plsc.subcore_barrier()
  wait_ir(0, 0)
  start_gather(0)
  wait_ir(1, 1)
  start_gather(1)

  process(0, 0, skip_ws=True)
  UNROLL = 12
  STEADY = 72

  def body12(i, _):
    j0 = 1 + UNROLL * i
    for o in range(UNROLL):
      process(o + 1, j0 + o)
    return 0

  lax.fori_loop(0, STEADY // UNROLL, body12, 0)
  for j in range(1 + STEADY, NCHUNK - 2):
    process(j, j)
  for j in range(NCHUNK - 2, NCHUNK):
    wait_gather(j % 3)
    wait_ic(j, j % 4)
    start_scatter(j % 3, j % 4)
  for j in range(NCHUNK - 3, NCHUNK):
    wait_scatter(j % 3, j % 4)
  plsc.subcore_barrier()
  pltpu.sync_copy(acc_sh.at[pl.ds(a0, ACC_PER_TILE)],
                  out_hbm.at[cid, pl.ds(a0, ACC_PER_TILE)])


@jax.jit
def _agg_kernel(y, inter, pads):
  return pl.kernel(
      _agg_body,
      out_type=jax.ShapeDtypeStruct((NC, ACC_ROWS, D), jnp.float32),
      mesh=_sc_mesh(),
      scratch_types=[
          pltpu.VMEM((3, CHUNK), jnp.int32),
          pltpu.VMEM((4, CHUNK), jnp.int32),
          pltpu.VMEM((CHUNK, D), jnp.float32),
          pltpu.VMEM((CHUNK, D), jnp.float32),
          pltpu.VMEM((CHUNK, D), jnp.float32),
          pltpu.VMEM_SHARED((ACC_ROWS, D), jnp.float32),
      ] + [pltpu.SemaphoreType.DMA] * 13,
  )(y, inter, pads)


def _combine_body(p_ref, degp_ref, b_ref, o_ref):
  deg = degp_ref[0, :, 0] + degp_ref[1, :, 0] + 1.0
  dinv = lax.rsqrt(deg)
  s = p_ref[0] + p_ref[1]
  o_ref[...] = s * dinv[:, None] + b_ref[...]


@jax.jit
def _combine_kernel(partials, deg_p, b2d):
  blk = 2000
  return pl.pallas_call(
      _combine_body,
      grid=(N // blk,),
      in_specs=[
          pl.BlockSpec((NC, blk, D), lambda i: (0, i, 0)),
          pl.BlockSpec((NC, blk, 1), lambda i: (0, i, 0)),
          pl.BlockSpec((1, D), lambda i: (0, 0)),
      ],
      out_specs=pl.BlockSpec((blk, D), lambda i: (i, 0)),
      out_shape=jax.ShapeDtypeStruct((N, D), jnp.float32),
  )(partials, deg_p.reshape(NC, NP, 1), b2d)


def kernel(features, edge_index, W, b):
  inter = edge_index.reshape(2, ECHC, CHUNK).transpose(1, 0, 2)
  ar = jnp.arange(PADC * CHUNK, dtype=jnp.int32)
  pad_rows = (N + ar % (NP - N)).reshape(PADC, 1, CHUNK)
  pad_cols = (N + ar % (ACC_ROWS - N)).reshape(PADC, 1, CHUNK)
  pads = jnp.concatenate([pad_rows, pad_cols], axis=1)

  deg_p = _deg_kernel(inter, pads)
  y = _matmul_kernel(features, W, deg_p)
  partials = _agg_kernel(y, inter, pads)
  return _combine_kernel(partials, deg_p, b.reshape(1, D))

# --- scband reference (transcript-rebuilt; emitter-appended) ---
"""Pipeline reference for scband-py-g-gcn-52716428591833 (READ-ONLY COPY).

The authoritative reference and input builder live on the scoring server;
editing this copy changes nothing except your own understanding.
"""

import jax, jax.numpy as jnp
import numpy as np

N_NODES = 10000
N_EDGES = 320000
D_IN = 128
D_OUT = 128


def setup_inputs(seed: int = 0) -> dict:
    key = jax.random.key(seed)
    k1, k2, k3 = jax.random.split(key, 3)
    features = jax.random.normal(k1, (N_NODES, D_IN), dtype=jnp.float32)
    edge_index = jax.random.randint(k2, (2, N_EDGES), 0, N_NODES, dtype=jnp.int32)
    # GCNConv learned parameters (glorot-uniform weight, zero bias)
    limit = float(np.sqrt(6.0 / (D_IN + D_OUT)))
    W = jax.random.uniform(k3, (D_IN, D_OUT), dtype=jnp.float32, minval=-limit, maxval=limit)
    b = jnp.zeros((D_OUT,), dtype=jnp.float32)
    return {"features": features, "edge_index": edge_index, "W": W, "b": b}


def reference(features, edge_index, W, b):
    N = features.shape[0]
    # linear transform first (PyG GCNConv applies lin before propagate)
    x = features @ W
    # add self-loops
    loop = jnp.arange(N, dtype=edge_index.dtype)
    row = jnp.concatenate([edge_index[0], loop])  # source nodes
    col = jnp.concatenate([edge_index[1], loop])  # destination nodes
    # symmetric normalization: deg computed on destination after self-loops
    ones = jnp.ones(row.shape[0], dtype=x.dtype)
    deg = jnp.zeros((N,), dtype=x.dtype).at[col].add(ones)
    deg_inv_sqrt = jnp.where(deg > 0, jax.lax.rsqrt(deg), 0.0)
    norm = deg_inv_sqrt[row] * deg_inv_sqrt[col]
    # message = norm * x_src ; aggregate by scatter-add into destination
    msgs = x[row] * norm[:, None]
    out = jnp.zeros_like(x).at[col].add(msgs)
    out = out + b
    return out

if __name__ == "__main__":
    import jax
    _d = setup_inputs()
    print(jax.jit(kernel)(*tuple(_d.values())))

</pallas_src>

<mosaic_0001>
#map = affine_map<(d0, d1) -> (0, 0, 0)>
#map1 = affine_map<(d0, d1) -> (0, 0)>
module attributes {stable_mosaic.version = 14 : i64} {
  func.func @_deg_body(%arg0: i32, %arg1: i32, %arg2: memref<2500x2x128xi32, #tpu.memory_space<hbm>>, %arg3: memref<60x2x128xi32, #tpu.memory_space<hbm>>, %arg4: memref<2x10240xf32, #tpu.memory_space<hbm>>, %arg5: memref<80x2x128xi32, #tpu.memory_space<vmem>>, %arg6: memref<128xf32, #tpu.memory_space<vmem>>, %arg7: memref<640xf32, #tpu.memory_space<vmem>>, %arg8: memref<10240xf32, #tpu.memory_space<vmem_shared>>, %arg9: memref<!tpu.dma_semaphore, #tpu.memory_space<semaphore_mem>>) attributes {dimension_semantics = [#tpu.dimension_semantics<core_parallel>, #tpu.dimension_semantics<subcore_parallel>], iteration_bounds = array<i64: 2, 16>, scalar_prefetch = 0 : i64, scratch_operands = 5 : i64, tpu.core_type = #tpu.core_type<sc_vector_subcore>, window_params = [{transform_indices = #map}, {transform_indices = #map}, {transform_indices = #map1}]} {
    %mul3A = arith.constant 16 : i32
    %mul3A_0 = arith.muli %arg0, %mul3A : i32
    %add3A = arith.addi %mul3A_0, %arg1 : i32
    %broadcast_in_dim3A = arith.constant 1.000000e+00 : f32
    %broadcast_in_dim3A_1 = vector.broadcast %broadcast_in_dim3A : f32 to vector<16xf32>
    %swap3A = arith.constant 0 : index
    %swap3A_2 = tpu.vector_load %arg6[%swap3A] {strides = array<i32>} : memref<128xf32, #tpu.memory_space<vmem>>, vector<16xf32>,
    %swap3A_3 = vector.shape_cast %swap3A_2 : vector<16xf32> to vector<16xf32>
    %swap3A_4 = vector.shape_cast %broadcast_in_dim3A_1 : vector<16xf32> to vector<16xf32>
    tpu.vector_store %arg6[%swap3A], %swap3A_4 {strides = array<i32>} : memref<128xf32, #tpu.memory_space<vmem>>, vector<16xf32>,
    %broadcast_in_dim3A_5 = arith.constant 1.000000e+00 : f32
    %broadcast_in_dim3A_6 = vector.broadcast %broadcast_in_dim3A_5 : f32 to vector<16xf32>
    %swap3A_7 = arith.constant 16 : index
    %swap3A_8 = tpu.vector_load %arg6[%swap3A_7] {strides = array<i32>} : memref<128xf32, #tpu.memory_space<vmem>>, vector<16xf32>,
    %swap3A_9 = vector.shape_cast %swap3A_8 : vector<16xf32> to vector<16xf32>
    %swap3A_10 = vector.shape_cast %broadcast_in_dim3A_6 : vector<16xf32> to vector<16xf32>
    tpu.vector_store %arg6[%swap3A_7], %swap3A_10 {strides = array<i32>} : memref<128xf32, #tpu.memory_space<vmem>>, vector<16xf32>,
    %broadcast_in_dim3A_11 = arith.constant 1.000000e+00 : f32
    %broadcast_in_dim3A_12 = vector.broadcast %broadcast_in_dim3A_11 : f32 to vector<16xf32>
    %swap3A_13 = arith.constant 32 : index
    %swap3A_14 = tpu.vector_load %arg6[%swap3A_13] {strides = array<i32>} : memref<128xf32, #tpu.memory_space<vmem>>, vector<16xf32>,
    %swap3A_15 = vector.shape_cast %swap3A_14 : vector<16xf32> to vector<16xf32>
    %swap3A_16 = vector.shape_cast %broadcast_in_dim3A_12 : vector<16xf32> to vector<16xf32>
    tpu.vector_store %arg6[%swap3A_13], %swap3A_16 {strides = array<i32>} : memref<128xf32, #tpu.memory_space<vmem>>, vector<16xf32>,
    %broadcast_in_dim3A_17 = arith.constant 1.000000e+00 : f32
    %broadcast_in_dim3A_18 = vector.broadcast %broadcast_in_dim3A_17 : f32 to vector<16xf32>
    %swap3A_19 = arith.constant 48 : index
    %swap3A_20 = tpu.vector_load %arg6[%swap3A_19] {strides = array<i32>} : memref<128xf32, #tpu.memory_space<vmem>>, vector<16xf32>,
    %swap3A_21 = vector.shape_cast %swap3A_20 : vector<16xf32> to vector<16xf32>
    %swap3A_22 = vector.shape_cast %broadcast_in_dim3A_18 : vector<16xf32> to vector<16xf32>
    tpu.vector_store %arg6[%swap3A_19], %swap3A_22 {strides = array<i32>} : memref<128xf32, #tpu.memory_space<vmem>>, vector<16xf32>,
    %broadcast_in_dim3A_23 = arith.constant 1.000000e+00 : f32
    %broadcast_in_dim3A_24 = vector.broadcast %broadcast_in_dim3A_23 : f32 to vector<16xf32>
    %swap3A_25 = arith.constant 64 : index
    %swap3A_26 = tpu.vector_load %arg6[%swap3A_25] {strides = array<i32>} : memref<128xf32, #tpu.memory_space<vmem>>, vector<16xf32>,
    %swap3A_27 = vector.shape_cast %swap3A_26 : vector<16xf32> to vector<16xf32>
    %swap3A_28 = vector.shape_cast %broadcast_in_dim3A_24 : vector<16xf32> to vector<16xf32>
    tpu.vector_store %arg6[%swap3A_25], %swap3A_28 {strides = array<i32>} : memref<128xf32, #tpu.memory_space<vmem>>, vector<16xf32>,
    %broadcast_in_dim3A_29 = arith.constant 1.000000e+00 : f32
    %broadcast_in_dim3A_30 = vector.broadcast %broadcast_in_dim3A_29 : f32 to vector<16xf32>
    %swap3A_31 = arith.constant 80 : index
    %swap3A_32 = tpu.vector_load %arg6[%swap3A_31] {strides = array<i32>} : memref<128xf32, #tpu.memory_space<vmem>>, vector<16xf32>,
    %swap3A_33 = vector.shape_cast %swap3A_32 : vector<16xf32> to vector<16xf32>
    %swap3A_34 = vector.shape_cast %broadcast_in_dim3A_30 : vector<16xf32> to vector<16xf32>
    tpu.vector_store %arg6[%swap3A_31], %swap3A_34 {strides = array<i32>} : memref<128xf32, #tpu.memory_space<vmem>>, vector<16xf32>,
    %broadcast_in_dim3A_35 = arith.constant 1.000000e+00 : f32
    %broadcast_in_dim3A_36 = vector.broadcast %broadcast_in_dim3A_35 : f32 to vector<16xf32>
    %swap3A_37 = arith.constant 96 : index
    %swap3A_38 = tpu.vector_load %arg6[%swap3A_37] {strides = array<i32>} : memref<128xf32, #tpu.memory_space<vmem>>, vector<16xf32>,
    %swap3A_39 = vector.shape_cast %swap3A_38 : vector<16xf32> to vector<16xf32>
    %swap3A_40 = vector.shape_cast %broadcast_in_dim3A_36 : vector<16xf32> to vector<16xf32>
    tpu.vector_store %arg6[%swap3A_37], %swap3A_40 {strides = array<i32>} : memref<128xf32, #tpu.memory_space<vmem>>, vector<16xf32>,
    %broadcast_in_dim3A_41 = arith.constant 1.000000e+00 : f32
    %broadcast_in_dim3A_42 = vector.broadcast %broadcast_in_dim3A_41 : f32 to vector<16xf32>
    %swap3A_43 = arith.constant 112 : index
    %swap3A_44 = tpu.vector_load %arg6[%swap3A_43] {strides = array<i32>} : memref<128xf32, #tpu.memory_space<vmem>>, vector<16xf32>,
    %swap3A_45 = vector.shape_cast %swap3A_44 : vector<16xf32> to vector<16xf32>
    %swap3A_46 = vector.shape_cast %broadcast_in_dim3A_42 : vector<16xf32> to vector<16xf32>
    tpu.vector_store %arg6[%swap3A_43], %swap3A_46 {strides = array<i32>} : memref<128xf32, #tpu.memory_space<vmem>>, vector<16xf32>,
    %broadcast_in_dim3A_47 = arith.constant 0.000000e+00 : f32
    %broadcast_in_dim3A_48 = vector.broadcast %broadcast_in_dim3A_47 : f32 to vector<16xf32>
    %scan3A = arith.constant 0 : i32
    %scan3A_49 = arith.constant 0 : i32
    %scan3A_50 = arith.constant 40 : i32
    %scan3A_51 = arith.addi %scan3A_49, %scan3A_50 : i32
    %scan3A_52 = arith.constant 1 : i32
    %scan3A_53 = scf.for %scan3A_83 = %scan3A_49 to %scan3A_51 step %scan3A_52 iter_args(%scan3A_84 = %scan3A) -> (i32)  : i32 {
      %mul3A_85 = arith.constant 16 : i32
      %mul3A_86 = arith.muli %scan3A_83, %mul3A_85 : i32
      %swap3A_87 = arith.index_cast %mul3A_86 : i32 to index
      %swap3A_88 = tpu.vector_load %arg7[%swap3A_87] {strides = array<i32>} : memref<640xf32, #tpu.memory_space<vmem>>, vector<16xf32>,
      %swap3A_89 = vector.shape_cast %swap3A_88 : vector<16xf32> to vector<16xf32>
      %swap3A_90 = vector.shape_cast %broadcast_in_dim3A_48 : vector<16xf32> to vector<16xf32>
      tpu.vector_store %arg7[%swap3A_87], %swap3A_90 {strides = array<i32>} : memref<640xf32, #tpu.memory_space<vmem>>, vector<16xf32>,
      %scan3A_91 = arith.constant 0 : i32
      scf.yield %scan3A_91 : i32
    }
    %scan3A_54 = arith.constant 40 : i32
    %mul3A_55 = arith.constant 640 : i32
    %mul3A_56 = arith.muli %arg1, %mul3A_55 : i32
    "tpu.region"() ({
      %run_scoped3A = tpu.sem_alloc : memref<!tpu.dma_semaphore, #tpu.memory_space<semaphore_mem>>
      %dma_start3A = tpu.memref_slice %arg8[%mul3A_56] : memref<10240xf32, #tpu.memory_space<vmem_shared>> -> memref<640xf32, #tpu.memory_space<vmem_shared>>
      %dma_start3A_83 = tpu.memref_slice %arg8[%mul3A_56] : memref<10240xf32, #tpu.memory_space<vmem_shared>> -> memref<640xf32, #tpu.memory_space<vmem_shared>>
      tpu.enqueue_dma source(%arg7 : memref<640xf32, #tpu.memory_space<vmem>>) target(%dma_start3A_83 : memref<640xf32, #tpu.memory_space<vmem_shared>>) target_semaphore(%run_scoped3A : memref<!tpu.dma_semaphore, #tpu.memory_space<semaphore_mem>>)
      %dma_wait3A = tpu.memref_slice %arg8[%mul3A_56] : memref<10240xf32, #tpu.memory_space<vmem_shared>> -> memref<640xf32, #tpu.memory_space<vmem_shared>>
      %dma_wait3A_84 = tpu.memref_slice %arg8[%mul3A_56] : memref<10240xf32, #tpu.memory_space<vmem_shared>> -> memref<640xf32, #tpu.memory_space<vmem_shared>>
      tpu.wait_dma2 semaphore(%run_scoped3A : memref<!tpu.dma_semaphore, #tpu.memory_space<semaphore_mem>>) src(%arg7 : memref<640xf32, #tpu.memory_space<vmem>>) dst(%dma_wait3A_84 : memref<640xf32, #tpu.memory_space<vmem_shared>>)
      tpu.yield
    }) : () -> ()
    %lt3A = arith.constant 31 : i32
    %lt3A_57 = arith.cmpi slt, %add3A, %lt3A : i32
    %convert_element_type3A = arith.extui %lt3A_57 : i1 to i32
    %cond3A = arith.constant 0 : i32
    %cond3A_58 = arith.cmpi ne, %convert_element_type3A, %cond3A : i32
    scf.if %cond3A_58 {
      %mul3A_83 = arith.constant 80 : i32
      %mul3A_84 = arith.muli %add3A, %mul3A_83 : i32
      "tpu.region"() ({
        %run_scoped3A = tpu.sem_alloc : memref<!tpu.dma_semaphore, #tpu.memory_space<semaphore_mem>>
        %dma_start3A = arith.constant 0 : i32
        %dma_start3A_85 = arith.constant 0 : i32
        %dma_start3A_86 = tpu.memref_slice %arg2[%mul3A_84, %dma_start3A, %dma_start3A_85] : memref<2500x2x128xi32, #tpu.memory_space<hbm>> -> memref<80x2x128xi32, #tpu.memory_space<hbm>>
        %dma_start3A_87 = arith.constant 0 : i32
        %dma_start3A_88 = arith.constant 0 : i32
        %dma_start3A_89 = tpu.memref_slice %arg2[%mul3A_84, %dma_start3A_87, %dma_start3A_88] : memref<2500x2x128xi32, #tpu.memory_space<hbm>> -> memref<80x2x128xi32, #tpu.memory_space<hbm>>
        tpu.enqueue_dma source(%dma_start3A_89 : memref<80x2x128xi32, #tpu.memory_space<hbm>>) target(%arg5 : memref<80x2x128xi32, #tpu.memory_space<vmem>>) target_semaphore(%run_scoped3A : memref<!tpu.dma_semaphore, #tpu.memory_space<semaphore_mem>>)
        %dma_wait3A = arith.constant 0 : i32
        %dma_wait3A_90 = arith.constant 0 : i32
        %dma_wait3A_91 = tpu.memref_slice %arg2[%mul3A_84, %dma_wait3A, %dma_wait3A_90] : memref<2500x2x128xi32, #tpu.memory_space<hbm>> -> memref<80x2x128xi32, #tpu.memory_space<hbm>>
        %dma_wait3A_92 = arith.constant 0 : i32
        %dma_wait3A_93 = arith.constant 0 : i32
        %dma_wait3A_94 = tpu.memref_slice %arg2[%mul3A_84, %dma_wait3A_92, %dma_wait3A_93] : memref<2500x2x128xi32, #tpu.memory_space<hbm>> -> memref<80x2x128xi32, #tpu.memory_space<hbm>>
        tpu.wait_dma2 semaphore(%run_scoped3A : memref<!tpu.dma_semaphore, #tpu.memory_space<semaphore_mem>>) src(%dma_wait3A_94 : memref<80x2x128xi32, #tpu.memory_space<hbm>>) dst(%arg5 : memref<80x2x128xi32, #tpu.memory_space<vmem>>)
        tpu.yield
      }) : () -> ()
    } else {
    }
    %eq3A = arith.constant 31 : i32
    %eq3A_59 = arith.cmpi eq, %add3A, %eq3A : i32
    %convert_element_type3A_60 = arith.extui %eq3A_59 : i1 to i32
    %cond3A_61 = arith.constant 0 : i32
    %cond3A_62 = arith.cmpi ne, %convert_element_type3A_60, %cond3A_61 : i32
    scf.if %cond3A_62 {
      "tpu.region"() ({
        %run_scoped3A = tpu.sem_alloc : memref<!tpu.dma_semaphore, #tpu.memory_space<semaphore_mem>>
        %dma_start3A = arith.constant 0 : i32
        %dma_start3A_83 = arith.constant 0 : i32
        %dma_start3A_84 = arith.constant 0 : i32
        %dma_start3A_85 = tpu.memref_slice %arg5[%dma_start3A, %dma_start3A_83, %dma_start3A_84] : memref<80x2x128xi32, #tpu.memory_space<vmem>> -> memref<20x2x128xi32, #tpu.memory_space<vmem>>
        %dma_start3A_86 = arith.constant 2480 : i32
        %dma_start3A_87 = arith.constant 0 : i32
        %dma_start3A_88 = arith.constant 0 : i32
        %dma_start3A_89 = tpu.memref_slice %arg2[%dma_start3A_86, %dma_start3A_87, %dma_start3A_88] : memref<2500x2x128xi32, #tpu.memory_space<hbm>> -> memref<20x2x128xi32, #tpu.memory_space<hbm>>
        %dma_start3A_90 = arith.constant 0 : i32
        %dma_start3A_91 = arith.constant 0 : i32
        %dma_start3A_92 = arith.constant 0 : i32
        %dma_start3A_93 = tpu.memref_slice %arg5[%dma_start3A_90, %dma_start3A_91, %dma_start3A_92] : memref<80x2x128xi32, #tpu.memory_space<vmem>> -> memref<20x2x128xi32, #tpu.memory_space<vmem>>
        %dma_start3A_94 = arith.constant 2480 : i32
        %dma_start3A_95 = arith.constant 0 : i32
        %dma_start3A_96 = arith.constant 0 : i32
        %dma_start3A_97 = tpu.memref_slice %arg2[%dma_start3A_94, %dma_start3A_95, %dma_start3A_96] : memref<2500x2x128xi32, #tpu.memory_space<hbm>> -> memref<20x2x128xi32, #tpu.memory_space<hbm>>
        tpu.enqueue_dma source(%dma_start3A_97 : memref<20x2x128xi32, #tpu.memory_space<hbm>>) target(%dma_start3A_93 : memref<20x2x128xi32, #tpu.memory_space<vmem>>) target_semaphore(%run_scoped3A : memref<!tpu.dma_semaphore, #tpu.memory_space<semaphore_mem>>)
        %dma_wait3A = arith.constant 0 : i32
        %dma_wait3A_98 = arith.constant 0 : i32
        %dma_wait3A_99 = arith.constant 0 : i32
        %dma_wait3A_100 = tpu.memref_slice %arg5[%dma_wait3A, %dma_wait3A_98, %dma_wait3A_99] : memref<80x2x128xi32, #tpu.memory_space<vmem>> -> memref<20x2x128xi32, #tpu.memory_space<vmem>>
        %dma_wait3A_101 = arith.constant 2480 : i32
        %dma_wait3A_102 = arith.constant 0 : i32
        %dma_wait3A_103 = arith.constant 0 : i32
        %dma_wait3A_104 = tpu.memref_slice %arg2[%dma_wait3A_101, %dma_wait3A_102, %dma_wait3A_103] : memref<2500x2x128xi32, #tpu.memory_space<hbm>> -> memref<20x2x128xi32, #tpu.memory_space<hbm>>
        %dma_wait3A_105 = arith.constant 0 : i32
        %dma_wait3A_106 = arith.constant 0 : i32
        %dma_wait3A_107 = arith.constant 0 : i32
        %dma_wait3A_108 = tpu.memref_slice %arg5[%dma_wait3A_105, %dma_wait3A_106, %dma_wait3A_107] : memref<80x2x128xi32, #tpu.memory_space<vmem>> -> memref<20x2x128xi32, #tpu.memory_space<vmem>>
        %dma_wait3A_109 = arith.constant 2480 : i32
        %dma_wait3A_110 = arith.constant 0 : i32
        %dma_wait3A_111 = arith.constant 0 : i32
        %dma_wait3A_112 = tpu.memref_slice %arg2[%dma_wait3A_109, %dma_wait3A_110, %dma_wait3A_111] : memref<2500x2x128xi32, #tpu.memory_space<hbm>> -> memref<20x2x128xi32, #tpu.memory_space<hbm>>
        tpu.wait_dma2 semaphore(%run_scoped3A : memref<!tpu.dma_semaphore, #tpu.memory_space<semaphore_mem>>) src(%dma_wait3A_112 : memref<20x2x128xi32, #tpu.memory_space<hbm>>) dst(%dma_wait3A_108 : memref<20x2x128xi32, #tpu.memory_space<vmem>>)
        tpu.yield
      }) : () -> ()
      "tpu.region"() ({
        %run_scoped3A = tpu.sem_alloc : memref<!tpu.dma_semaphore, #tpu.memory_space<semaphore_mem>>
        %dma_start3A = arith.constant 20 : i32
        %dma_start3A_83 = arith.constant 0 : i32
        %dma_start3A_84 = arith.constant 0 : i32
        %dma_start3A_85 = tpu.memref_slice %arg5[%dma_start3A, %dma_start3A_83, %dma_start3A_84] : memref<80x2x128xi32, #tpu.memory_space<vmem>> -> memref<60x2x128xi32, #tpu.memory_space<vmem>>
        %dma_start3A_86 = arith.constant 20 : i32
        %dma_start3A_87 = arith.constant 0 : i32
        %dma_start3A_88 = arith.constant 0 : i32
        %dma_start3A_89 = tpu.memref_slice %arg5[%dma_start3A_86, %dma_start3A_87, %dma_start3A_88] : memref<80x2x128xi32, #tpu.memory_space<vmem>> -> memref<60x2x128xi32, #tpu.memory_space<vmem>>
        tpu.enqueue_dma source(%arg3 : memref<60x2x128xi32, #tpu.memory_space<hbm>>) target(%dma_start3A_89 : memref<60x2x128xi32, #tpu.memory_space<vmem>>) target_semaphore(%run_scoped3A : memref<!tpu.dma_semaphore, #tpu.memory_space<semaphore_mem>>)
        %dma_wait3A = arith.constant 20 : i32
        %dma_wait3A_90 = arith.constant 0 : i32
        %dma_wait3A_91 = arith.constant 0 : i32
        %dma_wait3A_92 = tpu.memref_slice %arg5[%dma_wait3A, %dma_wait3A_90, %dma_wait3A_91] : memref<80x2x128xi32, #tpu.memory_space<vmem>> -> memref<60x2x128xi32, #tpu.memory_space<vmem>>
        %dma_wait3A_93 = arith.constant 20 : i32
        %dma_wait3A_94 = arith.constant 0 : i32
        %dma_wait3A_95 = arith.constant 0 : i32
        %dma_wait3A_96 = tpu.memref_slice %arg5[%dma_wait3A_93, %dma_wait3A_94, %dma_wait3A_95] : memref<80x2x128xi32, #tpu.memory_space<vmem>> -> memref<60x2x128xi32, #tpu.memory_space<vmem>>
        tpu.wait_dma2 semaphore(%run_scoped3A : memref<!tpu.dma_semaphore, #tpu.memory_space<semaphore_mem>>) src(%arg3 : memref<60x2x128xi32, #tpu.memory_space<hbm>>) dst(%dma_wait3A_96 : memref<60x2x128xi32, #tpu.memory_space<vmem>>)
        tpu.yield
      }) : () -> ()
    } else {
    }
    %barrier3A = arith.constant 0 : index
    tpu.barrier barrier_id(%barrier3A)
    %scan3A_63 = arith.constant 0 : i32
    %scan3A_64 = arith.constant 0 : i32
    %scan3A_65 = arith.constant 80 : i32
    %scan3A_66 = arith.addi %scan3A_64, %scan3A_65 : i32
    %scan3A_67 = arith.constant 1 : i32
    %scan3A_68 = scf.for %scan3A_83 = %scan3A_64 to %scan3A_66 step %scan3A_67 iter_args(%scan3A_84 = %scan3A_63) -> (i32)  : i32 {
      %dma_start3A = arith.constant 1 : i32
      %dma_start3A_85 = arith.constant 0 : i32
      %dma_start3A_86 = tpu.memref_slice %arg5[%scan3A_83, %dma_start3A, %dma_start3A_85] : memref<80x2x128xi32, #tpu.memory_space<vmem>> -> memref<1x1x128xi32, #tpu.memory_space<vmem>>
      %dma_start3A_87 = tpu.memref_squeeze %dma_start3A_86 : memref<1x1x128xi32, #tpu.memory_space<vmem>> -> memref<128xi32, #tpu.memory_space<vmem>>
      %dma_start3A_88 = arith.constant 0 : i32
      %dma_start3A_89 = tpu.memref_slice %arg8[%dma_start3A_88] : memref<10240xf32, #tpu.memory_space<vmem_shared>> -> memref<10240xf32, #tpu.memory_space<vmem_shared>>
      tpu.enqueue_indirect_dma source(%arg6 : memref<128xf32, #tpu.memory_space<vmem>>) target(%dma_start3A_89 : memref<10240xf32, #tpu.memory_space<vmem_shared>>) offsets(%dma_start3A_87 : memref<128xi32, #tpu.memory_space<vmem>>) semaphore(%arg9 : memref<!tpu.dma_semaphore, #tpu.memory_space<semaphore_mem>>) {add = true}
      %ge3A = arith.constant 4 : i32
      %ge3A_90 = arith.cmpi sge, %scan3A_83, %ge3A : i32
      %convert_element_type3A_91 = arith.extui %ge3A_90 : i1 to i32
      %cond3A_92 = arith.constant 0 : i32
      %cond3A_93 = arith.cmpi ne, %convert_element_type3A_91, %cond3A_92 : i32
      scf.if %cond3A_93 {
        %sub3A = arith.constant 4 : i32
        %sub3A_95 = arith.subi %scan3A_83, %sub3A : i32
        %dma_wait3A = arith.constant 1 : i32
        %dma_wait3A_96 = arith.constant 0 : i32
        %dma_wait3A_97 = tpu.memref_slice %arg5[%sub3A_95, %dma_wait3A, %dma_wait3A_96] : memref<80x2x128xi32, #tpu.memory_space<vmem>> -> memref<1x1x128xi32, #tpu.memory_space<vmem>>
        %dma_wait3A_98 = tpu.memref_squeeze %dma_wait3A_97 : memref<1x1x128xi32, #tpu.memory_space<vmem>> -> memref<128xi32, #tpu.memory_space<vmem>>
        %dma_wait3A_99 = arith.constant 0 : i32
        %dma_wait3A_100 = tpu.memref_slice %arg8[%dma_wait3A_99] : memref<10240xf32, #tpu.memory_space<vmem_shared>> -> memref<10240xf32, #tpu.memory_space<vmem_shared>>
        tpu.wait_indirect_dma semaphore(%arg9 : memref<!tpu.dma_semaphore, #tpu.memory_space<semaphore_mem>>) src(%arg6 : memref<128xf32, #tpu.memory_space<vmem>>) dst(%dma_wait3A_100 : memref<10240xf32, #tpu.memory_space<vmem_shared>>)
      } else {
      }
      %scan3A_94 = arith.constant 0 : i32
      scf.yield %scan3A_94 : i32
    }
    %scan3A_69 = arith.constant 80 : i32
    %scan3A_70 = arith.constant 0 : i32
    %scan3A_71 = arith.constant 76 : i32
    %scan3A_72 = arith.constant 4 : i32
    %scan3A_73 = arith.addi %scan3A_71, %scan3A_72 : i32
    %scan3A_74 = arith.constant 1 : i32
    %scan3A_75 = scf.for %scan3A_83 = %scan3A_71 to %scan3A_73 step %scan3A_74 iter_args(%scan3A_84 = %scan3A_70) -> (i32)  : i32 {
      %dma_wait3A = arith.constant 1 : i32
      %dma_wait3A_85 = arith.constant 0 : i32
      %dma_wait3A_86 = tpu.memref_slice %arg5[%scan3A_83, %dma_wait3A, %dma_wait3A_85] : memref<80x2x128xi32, #tpu.memory_space<vmem>> -> memref<1x1x128xi32, #tpu.memory_space<vmem>>
      %dma_wait3A_87 = tpu.memref_squeeze %dma_wait3A_86 : memref<1x1x128xi32, #tpu.memory_space<vmem>> -> memref<128xi32, #tpu.memory_space<vmem>>
      %dma_wait3A_88 = arith.constant 0 : i32
      %dma_wait3A_89 = tpu.memref_slice %arg8[%dma_wait3A_88] : memref<10240xf32, #tpu.memory_space<vmem_shared>> -> memref<10240xf32, #tpu.memory_space<vmem_shared>>
      tpu.wait_indirect_dma semaphore(%arg9 : memref<!tpu.dma_semaphore, #tpu.memory_space<semaphore_mem>>) src(%arg6 : memref<128xf32, #tpu.memory_space<vmem>>) dst(%dma_wait3A_89 : memref<10240xf32, #tpu.memory_space<vmem_shared>>)
      %scan3A_90 = arith.constant 0 : i32
      scf.yield %scan3A_90 : i32
    }
    %scan3A_76 = arith.constant 4 : i32
    %barrier3A_77 = arith.constant 0 : index
    tpu.barrier barrier_id(%barrier3A_77)
    %eq3A_78 = arith.constant 0 : i32
    %eq3A_79 = arith.cmpi eq, %arg1, %eq3A_78 : i32
    %convert_element_type3A_80 = arith.extui %eq3A_79 : i1 to i32
    %cond3A_81 = arith.constant 0 : i32
    %cond3A_82 = arith.cmpi ne, %convert_element_type3A_80, %cond3A_81 : i32
    scf.if %cond3A_82 {
      "tpu.region"() ({
        %run_scoped3A = tpu.sem_alloc : memref<!tpu.dma_semaphore, #tpu.memory_space<semaphore_mem>>
        %dma_start3A = arith.constant 0 : i32
        %dma_start3A_83 = tpu.memref_slice %arg4[%arg0, %dma_start3A] : memref<2x10240xf32, #tpu.memory_space<hbm>> -> memref<1x10240xf32, #tpu.memory_space<hbm>>
        %dma_start3A_84 = tpu.memref_squeeze %dma_start3A_83 : memref<1x10240xf32, #tpu.memory_space<hbm>> -> memref<10240xf32, #tpu.memory_space<hbm>>
        tpu.enqueue_dma source(%arg8 : memref<10240xf32, #tpu.memory_space<vmem_shared>>) target(%dma_start3A_84 : memref<10240xf32, #tpu.memory_space<hbm>>) target_semaphore(%run_scoped3A : memref<!tpu.dma_semaphore, #tpu.memory_space<semaphore_mem>>)
        %dma_wait3A = arith.constant 0 : i32
        %dma_wait3A_85 = tpu.memref_slice %arg4[%arg0, %dma_wait3A] : memref<2x10240xf32, #tpu.memory_space<hbm>> -> memref<1x10240xf32, #tpu.memory_space<hbm>>
        %dma_wait3A_86 = tpu.memref_squeeze %dma_wait3A_85 : memref<1x10240xf32, #tpu.memory_space<hbm>> -> memref<10240xf32, #tpu.memory_space<hbm>>
        tpu.wait_dma2 semaphore(%run_scoped3A : memref<!tpu.dma_semaphore, #tpu.memory_space<semaphore_mem>>) src(%arg8 : memref<10240xf32, #tpu.memory_space<vmem_shared>>) dst(%dma_wait3A_86 : memref<10240xf32, #tpu.memory_space<hbm>>)
        tpu.yield
      }) : () -> ()
    } else {
    }
    return
  }
}

</mosaic_0001>

<sc_bundles>
// kernel: _deg_kernel.3.cloned.1.call-start
scs
__scs_entry_jumppad:
0x0: {  	(pc) =	sbr.rel $0x88, $3  }
0x1: {  	(tag) =	ssettag $0x0;
	lr =	simm.s32 $0x1  }
0x2: {  	[smem:$0x3F9F] =	sst lr;
	_ =	strace $0xD0000000  }
0x3: {  	_ = 	snop  }
0x4: {  	_ = 	snop  }
0x5: {  	_ = 	snop  }
0x6: {  	_ = 	snop  }
0x7: {  	_ = 	snop  }
__scs_overlays_trampoline_lowered:
0x8: {  	[smem:$0x3FAE] =	sst s0  }
0x9: {  	[smem:$0x3FAF] =	sst s1  }
0xa: {  	[smem:$0x3FB0] =	sst s2  }
0xb: {  	[smem:$0x3FB1] =	sst s3  }
0xc: {  	[smem:$0x3FB2] =	sst s4  }
0xd: {  	[smem:$0x3FB3] =	sst s5  }
0xe: {  	[smem:$0x3FB4] =	sst s6  }
0xf: {  	[smem:$0x3FB5] =	sst s7  }
0x10: {  	[smem:$0x3FB6] =	sst s8  }
0x11: {  	[smem:$0x3FB7] =	sst s9;
	s0 =	simm.s32 @!p0 $0x0  }
0x12: {  	s1 =	sld [smem:$0x3F9D];
	s0 =	simm.s32 @p0 $0x1  }
0x13: {  	[smem:$0x3FB8] =	sst s0;
	s0 =	simm.s32 @!p1 $0x0  }
0x14: {  	s2 =	sld [smem:$0x3F9C];
	s0 =	simm.s32 @p1 $0x1  }
0x15: {  	[smem:$0x3FB9] =	sst s0;
	s0 =	simm.s32 @!p2 $0x0  }
0x16: {  	s3 =	sld [smem:$0x3FDB];
	s0 =	simm.s32 @p2 $0x1  }
0x17: {  	s4 =	simm.s32 $0x1BF5;
	[smem:$0x3FBB] =	sst s0  }
0x18: {  	s0 =	sld [smem:$0x3F9E];
	_ =	swait.ge [sflag:s4], $0x0  }
0x19: {  	s7 =	sld [smem:$0x3F9F]  }
0x1a: {  	s8 =	sadd.s32 $0xFFFFE003, lr  }
0x1b: {  	s9 =	sadd.s32 $0xFFFFFEF7, lr;
	s5 =	simm.s32 $0xFFFFFFFF;
	p2 =	slt.u32 s8, $0xFFFFF086  }
0x1c: {  	p1 =	slt.u32 s9, $0xF7A;
	s5 =	simm.s32 @!p2 $0x0  }
0x1d: {  	s5 =	simm.s32 @p1 $0x1;
	p0 =	seq.s32 s7, s2  }
0x1e: {  	s7 =	smul.u32 @!p0 $0xF7A, s2;
	p2 =	seq.s32 @!p0 s5, $0x0  }
0x1f: {  	s9 =	smul.u32 $0xF7A, s1;
	s8 =	simm.s32 @!p0 $0x1BF5;
	p2 =	por !p2, p0  }
0x20: {  	[sflag:s8] =	ssyncset.s32 @!p0 $0xFFFFF086;
	s6 =	sadd.s32 @!p0 s3, s7;
	s7 =	simm.s32 @!p0 $0x108  }
0x21: {  	s3 =	sadd.s32 s3, s9;
	s6 =	sadd.s32 @!p0 $0x88, s6;
	s7 =	simm.s32 @p2 $0x1082  }
0x22: {  	[simem:s7], [sflag:s8] =	dma.local @!p0 [hbm:s6], $0xF7A  }
0x23: {  	s9 =	sor.u32 $0xD0000000, s2;
	s6 =	simm.s32 $0x108;
	_ =	swait.ge @!p0 [sflag:s8], $0x0  }
0x24: {  	s3 =	sadd.s32 $0x88, s3;
	s6 =	simm.s32 @!p1 $0x1082;
	[sflag:s4] =	ssyncset.s32 $0xFFFFF086  }
0x25: {  	[simem:s6], [sflag:s4] =	dma.local [hbm:s3], $0xF7A  }
0x26: {  	[smem:$0x3F9F] =	sst s1;
	(tag) =	ssettag s2;
	_ =	strace s9  }
0x27: {  	s1 =	sld [smem:$0x3FAF]  }
0x28: {  	s2 =	sld [smem:$0x3FB0]  }
0x29: {  	s4 =	sld [smem:$0x3FB2]  }
0x2a: {  	p0 =	seq.s32 s5, $0x0;
	s5 =	sld [smem:$0x3FB3]  }
0x2b: {  	s6 =	sld [smem:$0x3FB4]  }
0x2c: {  	s7 =	sld [smem:$0x3FB5]  }
0x2d: {  	s3 =	simm.s32 $0x108;
	s8 =	sld [smem:$0x3FB6]  }
0x2e: {  	s3 =	simm.s32 @!p0 $0x1082;
	s9 =	sld [smem:$0x3FB7]  }
0x2f: {  	lr =	sadd.s32 s0, s3;
	s0 =	sld [smem:$0x3FAE]  }
0x30: {  	s3 =	sld [smem:$0x3FB1]  }
0x31: {  	[smem:$0x3FBA] =	sst s10  }
0x32: {  	s10 =	sld [smem:$0x3FB8];
	_ =	sdelay $0x3  }
0x33: {  	p0 =	seq.s32 s10, $0x1;
	s10 =	sld [smem:$0x3FBA];
	_ =	sdelay $0x3  }
0x34: {  	[smem:$0x3FBA] =	sst s10  }
0x35: {  	s10 =	sld [smem:$0x3FB9];
	_ =	sdelay $0x3  }
0x36: {  	p1 =	seq.s32 s10, $0x1;
	s10 =	sld [smem:$0x3FBA];
	_ =	sdelay $0x3  }
0x37: {  	[smem:$0x3FBA] =	sst s10  }
0x38: {  	s10 =	sld [smem:$0x3FBB]  }
0x39: {  	_ = 	snop;
	(pc) =	sbr.ind lr, $3  }
0x3a: {  	_ = 	snop  }
0x3b: {  	_ = 	snop  }
0x3c: {  	p2 =	seq.s32 s10, $0x1;
	s10 =	sld [smem:$0x3FBA]  }
0x3d: {  	_ =	shalt  }
0x3e: {  	_ =	shalt  }
0x3f: {  	_ =	shalt  }
0x40: {  	_ =	shalt  }
0x41: {  	_ =	shalt  }
0x42: {  	_ =	shalt  }
0x43: {  	_ =	shalt  }
0x44: {  	_ =	shalt  }
0x45: {  	_ =	shalt  }
0x46: {  	_ =	shalt  }
0x47: {  	_ =	shalt  }
0x48: {  	_ =	shalt  }
0x49: {  	_ =	shalt  }
0x4a: {  	_ =	shalt  }
0x4b: {  	_ =	shalt  }
0x4c: {  	_ =	shalt  }
0x4d: {  	_ =	shalt  }
0x4e: {  	_ =	shalt  }
0x4f: {  	_ =	shalt  }
0x50: {  	_ =	shalt  }
0x51: {  	_ =	shalt  }
0x52: {  	_ =	shalt  }
0x53: {  	_ =	shalt  }
0x54: {  	_ =	shalt  }
0x55: {  	_ =	shalt  }
0x56: {  	_ =	shalt  }
0x57: {  	_ =	shalt  }
0x58: {  	_ =	shalt  }
0x59: {  	_ =	shalt  }
0x5a: {  	_ =	shalt  }
0x5b: {  	_ =	shalt  }
0x5c: {  	_ =	shalt  }
0x5d: {  	_ =	shalt  }
0x5e: {  	_ =	shalt  }
0x5f: {  	_ =	shalt  }
0x60: {  	_ =	shalt  }
0x61: {  	_ =	shalt  }
0x62: {  	_ =	shalt  }
0x63: {  	_ =	shalt  }
0x64: {  	_ =	shalt  }
0x65: {  	_ =	shalt  }
0x66: {  	_ =	shalt  }
0x67: {  	_ =	shalt  }
0x68: {  	_ =	shalt  }
0x69: {  	_ =	shalt  }
0x6a: {  	_ =	shalt  }
0x6b: {  	_ =	shalt  }
0x6c: {  	_ =	shalt  }
0x6d: {  	_ =	shalt  }
0x6e: {  	_ =	shalt  }
0x6f: {  	_ =	shalt  }
0x70: {  	_ =	shalt  }
0x71: {  	_ =	shalt  }
0x72: {  	_ =	shalt  }
0x73: {  	_ =	shalt  }
0x74: {  	_ =	shalt  }
0x75: {  	_ =	shalt  }
0x76: {  	_ =	shalt  }
0x77: {  	_ =	shalt  }
0x78: {  	_ =	shalt  }
0x79: {  	_ =	shalt  }
0x7a: {  	_ =	shalt  }
0x7b: {  	_ =	shalt  }
0x7c: {  	_ =	shalt  }
0x7d: {  	_ =	shalt  }
0x7e: {  	_ =	shalt  }
0x7f: {  	_ =	shalt  }
0x80: {  	_ =	shalt  }
0x81: {  	_ =	shalt  }
0x82: {  	_ =	shalt  }
0x83: {  	_ =	shalt  }
0x84: {  	_ =	shalt  }
0x85: {  	_ =	shalt  }
0x86: {  	_ =	shalt  }
0x87: {  	_ =	shalt  }
.Lfunc_end0:
.L_simem_size_0:
called_computation_lowered:
.L_overlay_start_0:
0x88: {  	s2 =	sld [smem:$0x3FD9]  }
0x89: {  	s3 =	sld [smem:$0x3FFE];
	_ =	sdelay $0x1  }
0x8a: {  	s1 =	srdreg.scid  }
0x8b: {  	s0 =	sand.u32 $0x1, s1  }
0x8c: {  	s18 =	sshll.u32 s0, $0xA;
	s2 =	sadd.s32 s3, s2  }
0x8d: {  	s2 =	sadd.s32 s2, s18  }
0x8e: {  	[smem:$0x3FC6] =	sst s2  }
0x8f: {  	_ = 	snop  }
0x90: {  	s2 =	sld [smem:$0x3FC9]  }
0x91: {  	s19 =	sld [smem:$0x3FC8]  }
0x92: {  	s4 =	sld [smem:$0x3FD0];
	(tm) =	ssettm $0x1  }
0x93: {  	s5 =	sld [smem:$0x3FFB];
	_ =	sdelay $0x3  }
0x94: {  	_ =	strace s5  }
0x95: {  	s5 =	sld [smem:$0x3FFC];
	_ =	sdelay $0x3  }
0x96: {  	_ =	strace s5  }
0x97: {  	s5 =	sld [smem:$0x3FFD];
	_ =	sdelay $0x3  }
0x98: {  	_ =	strace s5  }
0x99: {  	_ =	strace $0x8FFFFFFF  }
0x9a: {  	s20 =	sld [smem:$0x3FDB];
	_ =	sdelay $0x1  }
0x9b: {  	s6 =	simm.s32 $_scs_section_size  }
0x9c: {  	s7 =	simm.s32 $_size__tile_overlayer_lowered;
	s8 =	simm.s32 $_tile_overlayer_lowered  }
0x9d: {  	s23 =	simm.s32 $0x1BFF;
	s22 =	sshll.u32 s8, $0x1;
	s5 =	sadd.s32 s6, s20  }
0x9e: {  	s9 =	simm.s32 $0x0;
	s21 =	sshll.u32 s7, $0x1;
	s7 =	sadd.s32 s22, s5  }
0x9f: {  	[timem:s9], [sflag:s23] =	dma.local [hbm:s7], s21  }
0xa0: {  	_ =	swait.ge [sflag:s23], s21  }
0xa1: {  	s6 =	ssub.s32 $0x0, s21;
	[sflag:s23] =	ssyncset.done $0x0  }
0xa2: {  	[sflag:s23] =	ssyncadd.s32 s6;
	_ =	sdelay $0x1  }
0xa3: {  	s24 =	simm.s32 $0x1B8B  }
0xa4: {  	_ =	swait.ge [sflag:s24], $0x1  }
0xa5: {  	[sflag:s24] =	ssyncset.done $0x0  }
0xa6: {  	s25 =	simm.s32 $0x1B8E;
	[sflag:s24] =	ssyncadd.s32 $0xFFFFFFFF  }
0xa7: {  	s26 =	simm.s32 $execute0_lowered;
	[smem:$0x3FD2] =	sst s25  }
0xa8: {  	s6 =	sshll.u32 s26, $0x1;
	_ =	strace $0x80000046;
	[dreg:$0x1] =	wrdreg $0xFFFFFFFF  }
0xa9: {  	s28 =	simm.s32 $_size_execute0_lowered;
	s5 =	sadd.s32 s5, s6;
	[dreg:$0x0] =	wrdreg $0x0  }
0xaa: {  	s6 =	sshll.u32 s28, $0x1;
	[dreg:$0x2] =	wrdreg s5  }
0xab: {  	[dreg:$0x3] =	wrdreg s6  }
0xac: {  	[dreg:$0x4] =	wrdreg $0xC0  }
0xad: {  	_ =	task [dreg:s9], $0x5FFFF  }
0xae: {  	[dreg:$0x1] =	wrdreg $0xFFFFFFFF  }
0xaf: {  	[dreg:$0x0] =	wrdreg $0x60  }
0xb0: {  	[dreg:$0x2] =	wrdreg s2  }
0xb1: {  	[dreg:$0x3] =	wrdreg s19  }
0xb2: {  	[dreg:$0x4] =	wrdreg s4  }
0xb3: {  	[dreg:$0x5] =	wrdreg $0x53000  }
0xb4: {  	[dreg:$0x6] =	wrdreg $0x9  }
0xb5: {  	_ =	task.clear_ibuf [dreg:s9], $0x7FFFF;
	_ =	strace $0x90000046  }
0xb6: {  	s29 =	simm.s32 $0x9;
	_ =	strace $0x80000048  }
0xb7: {  	_ =	swait.ge [sflag:s29], $0x1  }
0xb8: {  	[sflag:s29] =	ssyncadd.s32 $0xFFFFFFFF  }
0xb9: {  	_ =	strace $0x90000048  }
0xba: {  	_ =	sfence  }
0xbb: {  	s30 =	sld [smem:$0x0];
	_ =	sdelay $0x2  }
0xbc: {  	s31 =	sshll.u32 s1, $0xD;
	s1 =	sshrl.u32 s1, $0x2  }
0xbd: {  	s3 =	sand.u32 $0x4000, s31;
	s1 =	sadd.s32 s1, s30  }
0xbe: {  	s0 =	sor.u32 s3, s0;
	s1 =	sshll.u32 s1, $0x11  }
0xbf: {  	s0 =	sor.u32 s1, s0  }
0xc0: {  	s0 =	sadd.s32 $0x8F2B, s0  }
0xc1: {  	[sflag:s0] =	ssyncadd.remote.s32 $0x1  }
0xc2: {  	_ =	sfence.sel $0xFFFF  }
0xc3: {  	[dreg:$0x0] =	wrdreg $0xFFFFFFFF;
	(pc) =	sbr.abs _section_cstart, $3  }
0xc4: {  	[dreg:$0x1] =	wrdreg $0xFFFFFFFF  }
0xc5: {  	_ =	task.clear_ibuf [dreg:s9], $0x2FFFF;
	_ =	strace $0x9FFFFFFF  }
0xc6: {  	(tm) =	ssettm $0x7FFFFFFF  }
0xc7: {  	_ =	shalt  }
tec
execute0_lowered:
.L_overlay_start_1:
0x0: {  	(tag) =	ssettag $0x1  }
0x1: {  	s6 =	rddreg [dreg:$0x0]  }
0x2: {  	s1 =	rddreg [dreg:$0x1]  }
0x3: {  	s7 =	rddreg [dreg:$0x2]  }
0x4: {  	s2 =	rddreg [dreg:$0x3];
	s3 =	srdreg.scid  }
0x5: {  	s0 =	rddreg [dreg:$0x4];
	s15 =	stileid.u32;
	s12 =	simm.s32 $0x5000  }
0x6: {  	s13 =	simm.s32 $0x180;
	s14 =	simm.s32 $0x280;
	s16 =	simm.s32 $0x1  }
0x7: {  	s4 =	sand.u32 $0x1, s3;
	s3 =	simm.s32 $0x0;
	s5 =	smul.u32 $0xA00, s15  }
0x8: {  	p1 =	sne.s32 s15, $0x0;
	s8 =	sshll.u32 s4, $0x4;
	[smem:$0x7FF] =	sst s3  }
0x9: {  	s4 =	ssub.s32 $0x2, s4;
	s17 =	sshrl.u32 @!p1 s2, $0x3;
	s9 =	sor.u32 s15, s8  }
0xa: {  	s10 =	sshrl.u32 s4, $0x1;
	s5 =	sshrl.u32 s5, $0x2;
	_ =	strace $0x80000047  }
0xb: {  	s7 =	sadd.s32 s7, s8;
	s15 =	simm.s32 $0x380;
	s11 =	smul.u32 $0xA00, s9  }
0xc: {  	s10 =	ssub.s32 s4, s10;
	s4 =	sadd.s32 s5, s2;
	p0 =	seq.s32 s9, $0x1F  }
0xd: {  	s9 =	simm.s32 $0x5080;
	s8 =	smax.u32 s10, $0x1;
	s10 =	simm.s32 $0x2  }
0xe: {  	v0 =	vimm.f32 $1.000000000e+00;
	v1 =	vimm.f32 $0.0e+00;
	s5 =	sadd.s32 s6, s11;
	s6 =	sadd.s32 $0x13600, s6;
	s11 =	simm.s32 $0x80  }
.LBB2_1:
0xf: {  	[tilespmem:$0x5000] =	vst v0  }
0x10: {  	[tilespmem:$0x5010] =	vst v0  }
0x11: {  	[tilespmem:$0x5020] =	vst v0  }
0x12: {  	[tilespmem:$0x5030] =	vst v0  }
0x13: {  	[tilespmem:$0x5040] =	vst v0  }
0x14: {  	[tilespmem:$0x5050] =	vst v0  }
0x15: {  	[tilespmem:$0x5060] =	vst v0  }
0x16: {  	[tilespmem:$0x5070] =	vst v0  }
0x17: {  	[tilespmem:$0x5080] =	vst v1  }
0x18: {  	[tilespmem:$0x5090] =	vst v1  }
0x19: {  	[tilespmem:$0x50A0] =	vst v1  }
0x1a: {  	[tilespmem:$0x50B0] =	vst v1  }
0x1b: {  	[tilespmem:$0x50C0] =	vst v1  }
0x1c: {  	[tilespmem:$0x50D0] =	vst v1  }
0x1d: {  	[tilespmem:$0x50E0] =	vst v1  }
0x1e: {  	[tilespmem:$0x50F0] =	vst v1  }
0x1f: {  	[tilespmem:$0x5100] =	vst v1  }
0x20: {  	[tilespmem:$0x5110] =	vst v1  }
0x21: {  	[tilespmem:$0x5120] =	vst v1  }
0x22: {  	[tilespmem:$0x5130] =	vst v1  }
0x23: {  	[tilespmem:$0x5140] =	vst v1  }
0x24: {  	[tilespmem:$0x5150] =	vst v1  }
0x25: {  	[tilespmem:$0x5160] =	vst v1  }
0x26: {  	[tilespmem:$0x5170] =	vst v1  }
0x27: {  	[tilespmem:$0x5180] =	vst v1  }
0x28: {  	[tilespmem:$0x5190] =	vst v1  }
0x29: {  	[tilespmem:$0x51A0] =	vst v1  }
0x2a: {  	[tilespmem:$0x51B0] =	vst v1  }
0x2b: {  	[tilespmem:$0x51C0] =	vst v1  }
0x2c: {  	[tilespmem:$0x51D0] =	vst v1  }
0x2d: {  	[tilespmem:$0x51E0] =	vst v1  }
0x2e: {  	[tilespmem:$0x51F0] =	vst v1  }
0x2f: {  	[tilespmem:$0x5200] =	vst v1  }
0x30: {  	[tilespmem:$0x5210] =	vst v1  }
0x31: {  	[tilespmem:$0x5220] =	vst v1  }
0x32: {  	[tilespmem:$0x5230] =	vst v1  }
0x33: {  	[tilespmem:$0x5240] =	vst v1  }
0x34: {  	[tilespmem:$0x5250] =	vst v1  }
0x35: {  	[tilespmem:$0x5260] =	vst v1  }
0x36: {  	[tilespmem:$0x5270] =	vst v1  }
0x37: {  	[tilespmem:$0x5280] =	vst v1  }
0x38: {  	[tilespmem:$0x5290] =	vst v1  }
0x39: {  	[tilespmem:$0x52A0] =	vst v1  }
0x3a: {  	[tilespmem:$0x52B0] =	vst v1  }
0x3b: {  	[tilespmem:$0x52C0] =	vst v1  }
0x3c: {  	[tilespmem:$0x52D0] =	vst v1  }
0x3d: {  	[tilespmem:$0x52E0] =	vst v1  }
0x3e: {  	[tilespmem:$0x52F0] =	vst v1  }
0x3f: {  	[spmem:s4] =	stream.linear.scatter [tilespmem:s9], [sflag:$0x2], $0x280, $0x38;
	[tilespmem:$0x5580] =	vst v63  }
0x40: {  	_ =	swait.ge [sflag:s10], $0x280  }
0x41: {  	[sflag:s10] =	ssyncset.done $0x0  }
0x42: {  	s18 =	simm.s32 @p0 $0x0;
	s19 =	simm.s32 @p0 $0x2;
	[sflag:s10] =	ssyncadd.s32 $0xFFFFFD80  }
0x43: {  	[tilespmem:s18], [sflag:$0x2] =	stream.linear.gather @p0 [hbm4b:s6+s18], $0x1400, $0x38;
	[tilespmem:$0x5580] =	vst v63  }
0x44: {  	_ =	swait.ge @p0 [sflag:s19], $0x1400  }
0x45: {  	[sflag:s19] =	ssyncset.done @p0 $0x0  }
0x46: {  	s20 =	simm.s32 @p0 $0x1400;
	[sflag:s19] =	ssyncadd.s32 @p0 $0xFFFFEC00  }
0x47: {  	[tilespmem:s20], [sflag:$0x2] =	stream.linear.gather @p0 [hbm4b:s1+s18], $0x3C00, $0x38;
	[tilespmem:$0x5580] =	vst v63  }
0x48: {  	_ =	swait.ge @p0 [sflag:s19], $0x3C00  }
0x49: {  	[sflag:s19] =	ssyncset.done @p0 $0x0  }
0x4a: {  	s18 =	simm.s32 @!p0 $0x0;
	[sflag:s19] =	ssyncadd.s32 @p0 $0xFFFFC400  }
0x4b: {  	[tilespmem:s18], [sflag:$0x2] =	stream.linear.gather @!p0 [hbm4b:s5+s18], $0x5000, $0x38;
	[tilespmem:$0x5580] =	vst v63  }
0x4c: {  	s18 =	simm.s32 @!p0 $0x2  }
0x4d: {  	_ =	swait.ge @!p0 [sflag:s18], $0x5000  }
0x4e: {  	[sflag:s18] =	ssyncset.done @!p0 $0x0  }
0x4f: {  	[sflag:s18] =	ssyncadd.s32 @!p0 $0xFFFFB000  }
0x50: {  	[bflag:$0x0] =	sbarrier.arrive $0xFFFF  }
0x51: {  	[spmem:s2] =	stream.indirect.scatter.add.f32 [tilespmem:s12], [sflag:$0x1], $0x1, s11, s11, $0xb8;
	[tilespmem:$0x5580] =	vst v63  }
0x52: {  	_ = 	snop  }
0x53: {  	[spmem:s2] =	stream.indirect.scatter.add.f32 [tilespmem:s12], [sflag:$0x1], $0x1, s13, s11, $0xb8;
	[tilespmem:$0x5580] =	vst v63  }
0x54: {  	_ = 	snop  }
0x55: {  	[spmem:s2] =	stream.indirect.scatter.add.f32 [tilespmem:s12], [sflag:$0x1], $0x1, s14, s11, $0xb8;
	[tilespmem:$0x5580] =	vst v63  }
0x56: {  	_ = 	snop  }
0x57: {  	[spmem:s2] =	stream.indirect.scatter.add.f32 [tilespmem:s12], [sflag:$0x1], $0x1, s15, s11, $0xb8;
	[tilespmem:$0x5580] =	vst v63  }
0x58: {  	s31 =	simm.s32 $0x480  }
0x59: {  	[spmem:s2] =	stream.indirect.scatter.add.f32 [tilespmem:s12], [sflag:$0x1], $0x1, s31, s11, $0xb8;
	[tilespmem:$0x5580] =	vst v63  }
0x5a: {  	_ =	swait.ge [sflag:s16], $0x80  }
0x5b: {  	s18 =	simm.s32 $0x1600;
	[sflag:s16] =	ssyncset.done $0x0  }
.LBB2_2:
0x5c: {  	s19 =	sshra.s32 s18, $0x2;
	[sflag:s16] =	ssyncadd.s32 $0xFFFFFF80;
	p2 =	sne.s32 s18, $0x13E00  }
0x5d: {  	[spmem:s2] =	stream.indirect.scatter.add.f32 [tilespmem:s12], [sflag:$0x1], $0x1, s19, s11, $0xb8;
	[tilespmem:$0x5580] =	vst v63  }
.Ltmp0:
0x5e: {  	_ = 	snop;
	(pc) =	sbr.rel @p2 .LBB2_2-.Ltmp0, $4  }
0x5f: {  	_ = 	snop  }
0x60: {  	s18 =	sadd.s32 $0x400, s18  }
0x61: {  	_ =	swait.ge [sflag:s16], $0x80  }
0x62: {  	[sflag:s16] =	ssyncset.done $0x0  }
0x63: {  	[sflag:s16] =	ssyncadd.s32 $0xFFFFFF80  }
0x64: {  	_ =	swait.ge [sflag:s16], $0x80  }
0x65: {  	[sflag:s16] =	ssyncset.done $0x0  }
0x66: {  	[sflag:s16] =	ssyncadd.s32 $0xFFFFFF80  }
0x67: {  	_ =	swait.ge [sflag:s16], $0x80  }
0x68: {  	[sflag:s16] =	ssyncset.done $0x0  }
0x69: {  	[sflag:s16] =	ssyncadd.s32 $0xFFFFFF80  }
0x6a: {  	_ =	swait.ge [sflag:s16], $0x80  }
0x6b: {  	[sflag:s16] =	ssyncset.done $0x0  }
0x6c: {  	[sflag:s16] =	ssyncadd.s32 $0xFFFFFF80  }
0x6d: {  	_ =	swait.ge [sflag:s16], $0x80  }
0x6e: {  	s18 =	simm.s32 @!p1 $0x1;
	s19 =	simm.s32 @!p1 $0x20;
	[sflag:s16] =	ssyncset.done $0x0  }
0x6f: {  	s20 =	simm.s32 @!p1 $0x10;
	s3 =	sadd.s32 $0x1, s3;
	[sflag:s16] =	ssyncadd.s32 $0xFFFFFF80  }
0x70: {  	s21 =	simm.s32 @!p1 $0x1C02;
	p2 =	sne.s32 s3, s8;
	[bflag:$0x0] =	sbarrier.arrive $0xFFFF  }
0x71: {  	[hbm:s7@s19], [sflag:s21] =	dma.strided @!p1 [spmem:s17@s20], $0x500, s18, $0x10   }
.Ltmp1:
0x72: {  	_ = 	snop;
	(pc) =	sbr.rel @p2 .LBB2_1-.Ltmp1, $4  }
0x73: {  	s18 =	simm.s32 @!p1 $0x2  }
0x74: {  	_ =	swait.ge @!p1 [sflag:s18], $0x500  }
0x75: {  	[sflag:s18] =	ssyncset.done @!p1 $0x0  }
0x76: {  	[sflag:s18] =	ssyncadd.s32 @!p1 $0xFFFFFB00  }
0x77: {  	_ =	sfence.sel $0x180000  }
0x78: {  	[bflag:$0x0] =	sbarrier.arrive $0xFFFF  }
0x79: {  	_ =	strace $0x90000047  }
0x7a: {  	s0 =	sadd.s32 @!p1 $0x100000, s0;
	[bflag:$0x2] =	sbarrier.arrive $0xFFFF  }
0x7b: {  	[sflag:s0] =	ssyncadd.tile.s32 @!p1 $0x1;
	_ =	shalt  }
.Lfunc_end2:
_tile_overlayer_lowered:
.L_overlay_start_2:
0x7c: {  	(tag) =	ssettag $0x2  }
0x7d: {  	s0 =	rddreg [dreg:$0x0];
	s2 =	stileid.u32  }
0x7e: {  	s1 =	rddreg [dreg:$0x1];
	p0 =	sne.s32 s2, $0x0  }
0x7f: {  	s3 =	rddreg [dreg:$0x2];
	[bflag:$0x3] =	sbarrier.arrive $0xFFFF;
	s2 =	simm.s32 @!p0 $0x1C02  }
0x80: {  	[timem:s3], [sflag:s2] =	dma.local @!p0 [hbm:s0], s1  }
0x81: {  	s0 =	simm.s32 @!p0 $0x2  }
0x82: {  	_ =	swait.ge @!p0 [sflag:s0], s1  }
0x83: {  	s1 =	ssub.s32 @!p0 $0x0, s1;
	[sflag:s0] =	ssyncset.done @!p0 $0x0  }
0x84: {  	[sflag:s0] =	ssyncadd.s32 @!p0 s1  }
0x85: {  	[bflag:$0x3] =	sbarrier.arrive $0xFFFF  }
0x86: {  	_ =	shalt  }

</sc_bundles>
